<compile_context>
chip_gen: v7x
topology: tpu7x:2x2x1
jax: 0.10.2.dev20260603
libtpu: 0.0.44.dev20260713+nightly
codegen_flags: <defaults>
</compile_context>

<pallas_src>
import functools

import jax
import jax.numpy as jnp
from jax import lax
from jax.experimental import pallas as pl
from jax.experimental.pallas import tpu as pltpu
from jax.experimental.pallas import tpu_sc as plsc

B = 16384
F = 26
V = 100000
ROWS = V + 2000
D = 50
DP = 128
H = 300

NC = 2
NS = 16
NW = NC * NS

TOTAL = B * F
GW = 128
GATHERS_PER_CHUNK = 2
CHUNK = GW * GATHERS_PER_CHUNK
PER_W = TOTAL // NW
CHUNKS_PER_W = PER_W // CHUNK
NBUF = 2


def _sc_gather(tables_pad, idx_flat):
    mesh = plsc.VectorSubcoreMesh(core_axis_name="c", subcore_axis_name="s")

    @functools.partial(
        pl.kernel,
        mesh=mesh,
        out_type=jax.ShapeDtypeStruct((TOTAL, DP), jnp.float32),
        compiler_params=pltpu.CompilerParams(use_tc_tiling_on_sc=False),
        scratch_types=[
            pltpu.VMEM((PER_W,), jnp.int32),
            pltpu.VMEM((NBUF, CHUNK, DP), jnp.float32),
            pltpu.SemaphoreType.DMA,
            pltpu.SemaphoreType.DMA,
        ],
    )
    def k(tab_hbm, idx_hbm, out_hbm, idx_v, rows_v, gsem, osem):
        wid = lax.axis_index("s") * NC + lax.axis_index("c")
        base = wid * PER_W
        pltpu.sync_copy(idx_hbm.at[pl.ds(base, PER_W)], idx_v)

        def fire(c, buf):
            for j in range(GATHERS_PER_CHUNK):
                pltpu.make_async_copy(
                    tab_hbm.at[idx_v.at[pl.ds(c * CHUNK + j * GW, GW)]],
                    rows_v.at[buf].at[pl.ds(j * GW, GW)],
                    gsem,
                ).start()

        def drain(c, buf):
            for j in range(GATHERS_PER_CHUNK):
                pltpu.make_async_copy(
                    tab_hbm.at[idx_v.at[pl.ds(c * CHUNK + j * GW, GW)]],
                    rows_v.at[buf].at[pl.ds(j * GW, GW)],
                    gsem,
                ).wait()

        def out_copy(c, buf):
            return pltpu.make_async_copy(
                rows_v.at[buf],
                out_hbm.at[pl.ds(base + c * CHUNK, CHUNK)],
                osem,
            )

        fire(0, 0)

        @pl.loop(0, CHUNKS_PER_W, step=NBUF)
        def _(cbase):
            for bstat in range(NBUF):
                c = cbase + bstat
                nb = (bstat + 1) % NBUF

                @pl.when(c + 1 < CHUNKS_PER_W)
                def _(c=c, nb=nb):
                    @pl.when(c + 1 >= NBUF)
                    def _():
                        out_copy(c + 1 - NBUF, nb).wait()

                    fire(c + 1, nb)

                drain(c, bstat)
                out_copy(c, bstat).start()

        for t in range(NBUF):
            c = CHUNKS_PER_W - NBUF + t
            out_copy(c, c % NBUF).wait()

    return k(tables_pad, idx_flat)


_BLKC = 10240
ROWS2 = 102400


def _tpad_block(x_ref, o_ref):
    xt = x_ref[0].T
    o_ref[0] = jnp.concatenate(
        [xt, jnp.zeros((_BLKC, DP - D), xt.dtype)], axis=1)


def _tc_transpose_pad(tables_t):
    nj = ROWS2 // _BLKC
    return pl.pallas_call(
        _tpad_block,
        grid=(F, nj),
        in_specs=[pl.BlockSpec((1, D, _BLKC), lambda f, j: (f, 0, j))],
        out_specs=pl.BlockSpec((1, _BLKC, DP), lambda f, j: (f, j, 0)),
        out_shape=jax.ShapeDtypeStruct((F, ROWS2, DP), jnp.float32),
    )(tables_t)


def _mlp_block(x_ref, w1_ref, b1_ref, w2_ref, b2_ref, o_ref):
    x = x_ref[...].astype(jnp.bfloat16)
    w1 = w1_ref[...].astype(jnp.bfloat16)
    l1 = jnp.dot(x, w1, preferred_element_type=jnp.float32) + b1_ref[...]
    l1 = jnp.maximum(l1, 0.0).astype(jnp.bfloat16)
    w2 = w2_ref[...].astype(jnp.bfloat16)
    l2 = jnp.dot(l1, w2, preferred_element_type=jnp.float32) + b2_ref[...]
    o_ref[...] = jax.nn.sigmoid(l2)


def _tc_mlp(x, W1p, b1, W2, b2):
    BLK = 1024
    return pl.pallas_call(
        _mlp_block,
        grid=(B // BLK,),
        in_specs=[
            pl.BlockSpec((BLK, F * DP), lambda i: (i, 0)),
            pl.BlockSpec((F * DP, H), lambda i: (0, 0)),
            pl.BlockSpec((1, H), lambda i: (0, 0)),
            pl.BlockSpec((H, 1), lambda i: (0, 0)),
            pl.BlockSpec((1, 1), lambda i: (0, 0)),
        ],
        out_specs=pl.BlockSpec((BLK, 1), lambda i: (i, 0)),
        out_shape=jax.ShapeDtypeStruct((B, 1), jnp.float32),
    )(x, W1p, b1, W2, b2)


def kernel(xb, tables, W1, b1, W2, b2):
    tables_pad = _tc_transpose_pad(jnp.transpose(tables, (0, 2, 1))).reshape(
        F * ROWS2, DP)
    W1p = jnp.pad(W1.reshape(F, D, H), ((0, 0), (0, DP - D), (0, 0))).reshape(
        F * DP, H)
    idx_flat = (xb + (jnp.arange(F, dtype=jnp.int32) * ROWS2)[None, :]).reshape(
        TOTAL)
    gathered = _sc_gather(tables_pad, idx_flat)
    x = gathered.reshape(B, F * DP)
    return _tc_mlp(x, W1p, b1.reshape(1, H), W2, b2.reshape(1, 1))

# --- scband reference (transcript-rebuilt; emitter-appended) ---
"""Pipeline reference for scband-entity-model-7576322310795 (READ-ONLY COPY).

The authoritative reference and input builder live on the scoring server;
editing this copy changes nothing except your own understanding.
"""

import jax, jax.numpy as jnp
import numpy as np

B = 16384   # batch
F = 26      # n sparse fields
V = 100000  # per-field cardinality (nunique)
ROWS = V + 2000  # module adds 2000 slack rows per table
D = 50      # embed_dim = min(ceil(V/2), 50)
H = 300     # hidden width of linear_1


def setup_inputs(seed: int = 0) -> dict:
    key = jax.random.key(seed)
    k1, k2, k3, k4 = jax.random.split(key, 4)
    xb = jax.random.randint(k1, (B, F), 0, V, dtype=jnp.int32)
    # All 26 per-field embedding tables stacked: [F, ROWS, D]
    tables = jax.random.normal(k2, (F, ROWS, D), dtype=jnp.float32) * 0.02
    W1 = jax.random.normal(k3, (F * D, H), dtype=jnp.float32) * 0.02
    b1 = jnp.zeros((H,), dtype=jnp.float32)
    W2 = jax.random.normal(k4, (H, 1), dtype=jnp.float32) * 0.02
    b2 = jnp.zeros((1,), dtype=jnp.float32)
    return {"xb": xb, "tables": tables, "W1": W1, "b1": b1, "W2": W2, "b2": b2}


def reference(xb, tables, W1, b1, W2, b2):
    # Per-field embedding lookup: field i uses table i with indices xb[:, i]
    emb = jax.vmap(lambda t, idx: jnp.take(t, idx, axis=0), in_axes=(0, 1), out_axes=1)(tables, xb)  # [B, F, D]
    cancated = emb.reshape(xb.shape[0], F * D)  # torch.cat of per-field views
    l1 = cancated @ W1 + b1
    l2 = jax.nn.relu(l1)
    # dropout(p=0.3) is identity in eval mode
    out = l2 @ W2 + b2
    out = jax.nn.sigmoid(out)
    return out

if __name__ == "__main__":
    import jax
    _d = setup_inputs()
    print(jax.jit(kernel)(*tuple(_d.values())))

</pallas_src>

<mosaic_0001>
#map = affine_map<(d0, d1) -> (0, 0)>
#map1 = affine_map<(d0, d1) -> (0)>
module attributes {stable_mosaic.version = 14 : i64} {
  func.func @k(%arg0: i32, %arg1: i32, %arg2: memref<2662400x128xf32, #tpu.memory_space<hbm>>, %arg3: memref<425984xi32, #tpu.memory_space<hbm>>, %arg4: memref<425984x128xf32, #tpu.memory_space<hbm>>, %arg5: memref<13312xi32, #tpu.memory_space<vmem>>, %arg6: memref<2x256x128xf32, #tpu.memory_space<vmem>>, %arg7: memref<!tpu.dma_semaphore, #tpu.memory_space<semaphore_mem>>, %arg8: memref<!tpu.dma_semaphore, #tpu.memory_space<semaphore_mem>>) attributes {dimension_semantics = [#tpu.dimension_semantics<core_parallel>, #tpu.dimension_semantics<subcore_parallel>], iteration_bounds = array<i64: 2, 16>, scalar_prefetch = 0 : i64, scratch_operands = 4 : i64, tpu.core_type = #tpu.core_type<sc_vector_subcore>, window_params = [{transform_indices = #map}, {transform_indices = #map1}, {transform_indices = #map}]} {
    %mul3A = arith.constant 2 : i32
    %mul3A_0 = arith.muli %arg1, %mul3A : i32
    %add3A = arith.addi %mul3A_0, %arg0 : i32
    %mul3A_1 = arith.constant 13312 : i32
    %mul3A_2 = arith.muli %add3A, %mul3A_1 : i32
    "tpu.region"() ({
      %run_scoped3A = tpu.sem_alloc : memref<!tpu.dma_semaphore, #tpu.memory_space<semaphore_mem>>
      %dma_start3A_61 = tpu.memref_slice %arg3[%mul3A_2] : memref<425984xi32, #tpu.memory_space<hbm>> -> memref<13312xi32, #tpu.memory_space<hbm>>
      %dma_start3A_62 = tpu.memref_slice %arg3[%mul3A_2] : memref<425984xi32, #tpu.memory_space<hbm>> -> memref<13312xi32, #tpu.memory_space<hbm>>
      tpu.enqueue_dma source(%dma_start3A_62 : memref<13312xi32, #tpu.memory_space<hbm>>) target(%arg5 : memref<13312xi32, #tpu.memory_space<vmem>>) target_semaphore(%run_scoped3A : memref<!tpu.dma_semaphore, #tpu.memory_space<semaphore_mem>>)
      %dma_wait3A_63 = tpu.memref_slice %arg3[%mul3A_2] : memref<425984xi32, #tpu.memory_space<hbm>> -> memref<13312xi32, #tpu.memory_space<hbm>>
      %dma_wait3A_64 = tpu.memref_slice %arg3[%mul3A_2] : memref<425984xi32, #tpu.memory_space<hbm>> -> memref<13312xi32, #tpu.memory_space<hbm>>
      tpu.wait_dma2 semaphore(%run_scoped3A : memref<!tpu.dma_semaphore, #tpu.memory_space<semaphore_mem>>) src(%dma_wait3A_64 : memref<13312xi32, #tpu.memory_space<hbm>>) dst(%arg5 : memref<13312xi32, #tpu.memory_space<vmem>>)
      tpu.yield
    }) : () -> ()
    %dma_start3A = arith.constant 0 : i32
    %dma_start3A_3 = arith.constant 0 : i32
    %dma_start3A_4 = arith.constant 0 : i32
    %dma_start3A_5 = tpu.memref_slice %arg6[%dma_start3A, %dma_start3A_3, %dma_start3A_4] : memref<2x256x128xf32, #tpu.memory_space<vmem>> -> memref<1x256x128xf32, #tpu.memory_space<vmem>>
    %dma_start3A_6 = tpu.memref_squeeze %dma_start3A_5 : memref<1x256x128xf32, #tpu.memory_space<vmem>> -> memref<256x128xf32, #tpu.memory_space<vmem>>
    %dma_start3A_7 = arith.constant 0 : i32
    %dma_start3A_8 = arith.constant 0 : i32
    %dma_start3A_9 = tpu.memref_slice %dma_start3A_6[%dma_start3A_7, %dma_start3A_8] : memref<256x128xf32, #tpu.memory_space<vmem>> -> memref<128x128xf32, #tpu.memory_space<vmem>>
    %dma_start3A_10 = arith.constant 0 : i32
    %dma_start3A_11 = tpu.memref_slice %arg5[%dma_start3A_10] : memref<13312xi32, #tpu.memory_space<vmem>> -> memref<128xi32, #tpu.memory_space<vmem>>
    %dma_start3A_12 = arith.constant 0 : i32
    %dma_start3A_13 = arith.constant 0 : i32
    %dma_start3A_14 = tpu.memref_slice %arg2[%dma_start3A_12, %dma_start3A_13] : memref<2662400x128xf32, #tpu.memory_space<hbm>> -> memref<2662400x128xf32, #tpu.memory_space<hbm>>
    tpu.enqueue_indirect_dma source(%dma_start3A_14 : memref<2662400x128xf32, #tpu.memory_space<hbm>>) target(%dma_start3A_9 : memref<128x128xf32, #tpu.memory_space<vmem>>) offsets(%dma_start3A_11 : memref<128xi32, #tpu.memory_space<vmem>>) semaphore(%arg7 : memref<!tpu.dma_semaphore, #tpu.memory_space<semaphore_mem>>)
    %dma_start3A_15 = arith.constant 0 : i32
    %dma_start3A_16 = arith.constant 0 : i32
    %dma_start3A_17 = arith.constant 0 : i32
    %dma_start3A_18 = tpu.memref_slice %arg6[%dma_start3A_15, %dma_start3A_16, %dma_start3A_17] : memref<2x256x128xf32, #tpu.memory_space<vmem>> -> memref<1x256x128xf32, #tpu.memory_space<vmem>>
    %dma_start3A_19 = tpu.memref_squeeze %dma_start3A_18 : memref<1x256x128xf32, #tpu.memory_space<vmem>> -> memref<256x128xf32, #tpu.memory_space<vmem>>
    %dma_start3A_20 = arith.constant 128 : i32
    %dma_start3A_21 = arith.constant 0 : i32
    %dma_start3A_22 = tpu.memref_slice %dma_start3A_19[%dma_start3A_20, %dma_start3A_21] : memref<256x128xf32, #tpu.memory_space<vmem>> -> memref<128x128xf32, #tpu.memory_space<vmem>>
    %dma_start3A_23 = arith.constant 128 : i32
    %dma_start3A_24 = tpu.memref_slice %arg5[%dma_start3A_23] : memref<13312xi32, #tpu.memory_space<vmem>> -> memref<128xi32, #tpu.memory_space<vmem>>
    %dma_start3A_25 = arith.constant 0 : i32
    %dma_start3A_26 = arith.constant 0 : i32
    %dma_start3A_27 = tpu.memref_slice %arg2[%dma_start3A_25, %dma_start3A_26] : memref<2662400x128xf32, #tpu.memory_space<hbm>> -> memref<2662400x128xf32, #tpu.memory_space<hbm>>
    tpu.enqueue_indirect_dma source(%dma_start3A_27 : memref<2662400x128xf32, #tpu.memory_space<hbm>>) target(%dma_start3A_22 : memref<128x128xf32, #tpu.memory_space<vmem>>) offsets(%dma_start3A_24 : memref<128xi32, #tpu.memory_space<vmem>>) semaphore(%arg7 : memref<!tpu.dma_semaphore, #tpu.memory_space<semaphore_mem>>)
    %scan3A = arith.constant 0 : i32
    %scan3A_28 = arith.constant 26 : i32
    %scan3A_29 = arith.addi %scan3A, %scan3A_28 : i32
    %scan3A_30 = arith.constant 1 : i32
    scf.for %scan3A_61 = %scan3A to %scan3A_29 step %scan3A_30  : i32 {
      %mul3A_62 = arith.constant 2 : i32
      %mul3A_63 = arith.muli %scan3A_61, %mul3A_62 : i32
      %add3A_64 = arith.constant 0 : i32
      %add3A_65 = arith.addi %add3A_64, %mul3A_63 : i32
      %add3A_66 = arith.constant 0 : i32
      %add3A_67 = arith.addi %add3A_65, %add3A_66 : i32
      %add3A_68 = arith.constant 1 : i32
      %add3A_69 = arith.addi %add3A_67, %add3A_68 : i32
      %lt3A = arith.constant 52 : i32
      %lt3A_70 = arith.cmpi slt, %add3A_69, %lt3A : i32
      %convert_element_type3A = arith.extui %lt3A_70 : i1 to i32
      %cond3A = arith.constant 0 : i32
      %cond3A_71 = arith.cmpi ne, %convert_element_type3A, %cond3A : i32
      scf.if %cond3A_71 {
        %add3A_177 = arith.constant 1 : i32
        %add3A_178 = arith.addi %add3A_67, %add3A_177 : i32
        %ge3A = arith.constant 2 : i32
        %ge3A_179 = arith.cmpi sge, %add3A_178, %ge3A : i32
        %convert_element_type3A_180 = arith.extui %ge3A_179 : i1 to i32
        %cond3A_181 = arith.constant 0 : i32
        %cond3A_182 = arith.cmpi ne, %convert_element_type3A_180, %cond3A_181 : i32
        scf.if %cond3A_182 {
          %add3A_217 = arith.constant 1 : i32
          %add3A_218 = arith.addi %add3A_67, %add3A_217 : i32
          %sub3A = arith.constant 2 : i32
          %sub3A_219 = arith.subi %add3A_218, %sub3A : i32
          %mul3A_220 = arith.constant 256 : i32
          %mul3A_221 = arith.muli %sub3A_219, %mul3A_220 : i32
          %add3A_222 = arith.addi %mul3A_2, %mul3A_221 : i32
          %dma_wait3A_223 = arith.constant 1 : i32
          %dma_wait3A_224 = arith.constant 0 : i32
          %dma_wait3A_225 = arith.constant 0 : i32
          %dma_wait3A_226 = tpu.memref_slice %arg6[%dma_wait3A_223, %dma_wait3A_224, %dma_wait3A_225] : memref<2x256x128xf32, #tpu.memory_space<vmem>> -> memref<1x256x128xf32, #tpu.memory_space<vmem>>
          %dma_wait3A_227 = tpu.memref_squeeze %dma_wait3A_226 : memref<1x256x128xf32, #tpu.memory_space<vmem>> -> memref<256x128xf32, #tpu.memory_space<vmem>>
          %dma_wait3A_228 = arith.constant 0 : i32
          %dma_wait3A_229 = tpu.memref_slice %arg4[%add3A_222, %dma_wait3A_228] : memref<425984x128xf32, #tpu.memory_space<hbm>> -> memref<256x128xf32, #tpu.memory_space<hbm>>
          %dma_wait3A_230 = arith.constant 0 : i32
          %dma_wait3A_231 = tpu.memref_slice %arg4[%add3A_222, %dma_wait3A_230] : memref<425984x128xf32, #tpu.memory_space<hbm>> -> memref<256x128xf32, #tpu.memory_space<hbm>>
          %dma_wait3A_232 = arith.constant 0 : i32
          %dma_wait3A_233 = arith.constant 0 : i32
          %dma_wait3A_234 = tpu.memref_slice %arg6[%dma_wait3A_223, %dma_wait3A_232, %dma_wait3A_233] : memref<2x256x128xf32, #tpu.memory_space<vmem>> -> memref<1x256x128xf32, #tpu.memory_space<vmem>>
          %dma_wait3A_235 = tpu.memref_squeeze %dma_wait3A_234 : memref<1x256x128xf32, #tpu.memory_space<vmem>> -> memref<256x128xf32, #tpu.memory_space<vmem>>
          tpu.wait_dma2 semaphore(%arg8 : memref<!tpu.dma_semaphore, #tpu.memory_space<semaphore_mem>>) src(%dma_wait3A_235 : memref<256x128xf32, #tpu.memory_space<vmem>>) dst(%dma_wait3A_231 : memref<256x128xf32, #tpu.memory_space<hbm>>)
        } else {
        }
        %add3A_183 = arith.constant 1 : i32
        %add3A_184 = arith.addi %add3A_67, %add3A_183 : i32
        %mul3A_185 = arith.constant 256 : i32
        %mul3A_186 = arith.muli %add3A_184, %mul3A_185 : i32
        %add3A_187 = arith.constant 0 : i32
        %add3A_188 = arith.addi %mul3A_186, %add3A_187 : i32
        %dma_start3A_189 = arith.constant 1 : i32
        %dma_start3A_190 = arith.constant 0 : i32
        %dma_start3A_191 = arith.constant 0 : i32
        %dma_start3A_192 = tpu.memref_slice %arg6[%dma_start3A_189, %dma_start3A_190, %dma_start3A_191] : memref<2x256x128xf32, #tpu.memory_space<vmem>> -> memref<1x256x128xf32, #tpu.memory_space<vmem>>
        %dma_start3A_193 = tpu.memref_squeeze %dma_start3A_192 : memref<1x256x128xf32, #tpu.memory_space<vmem>> -> memref<256x128xf32, #tpu.memory_space<vmem>>
        %dma_start3A_194 = arith.constant 0 : i32
        %dma_start3A_195 = arith.constant 0 : i32
        %dma_start3A_196 = tpu.memref_slice %dma_start3A_193[%dma_start3A_194, %dma_start3A_195] : memref<256x128xf32, #tpu.memory_space<vmem>> -> memref<128x128xf32, #tpu.memory_space<vmem>>
        %dma_start3A_197 = tpu.memref_slice %arg5[%add3A_188] : memref<13312xi32, #tpu.memory_space<vmem>> -> memref<128xi32, #tpu.memory_space<vmem>>
        %dma_start3A_198 = arith.constant 0 : i32
        %dma_start3A_199 = arith.constant 0 : i32
        %dma_start3A_200 = tpu.memref_slice %arg2[%dma_start3A_198, %dma_start3A_199] : memref<2662400x128xf32, #tpu.memory_space<hbm>> -> memref<2662400x128xf32, #tpu.memory_space<hbm>>
        tpu.enqueue_indirect_dma source(%dma_start3A_200 : memref<2662400x128xf32, #tpu.memory_space<hbm>>) target(%dma_start3A_196 : memref<128x128xf32, #tpu.memory_space<vmem>>) offsets(%dma_start3A_197 : memref<128xi32, #tpu.memory_space<vmem>>) semaphore(%arg7 : memref<!tpu.dma_semaphore, #tpu.memory_space<semaphore_mem>>)
        %mul3A_201 = arith.constant 256 : i32
        %mul3A_202 = arith.muli %add3A_184, %mul3A_201 : i32
        %add3A_203 = arith.constant 128 : i32
        %add3A_204 = arith.addi %mul3A_202, %add3A_203 : i32
        %dma_start3A_205 = arith.constant 1 : i32
        %dma_start3A_206 = arith.constant 0 : i32
        %dma_start3A_207 = arith.constant 0 : i32
        %dma_start3A_208 = tpu.memref_slice %arg6[%dma_start3A_205, %dma_start3A_206, %dma_start3A_207] : memref<2x256x128xf32, #tpu.memory_space<vmem>> -> memref<1x256x128xf32, #tpu.memory_space<vmem>>
        %dma_start3A_209 = tpu.memref_squeeze %dma_start3A_208 : memref<1x256x128xf32, #tpu.memory_space<vmem>> -> memref<256x128xf32, #tpu.memory_space<vmem>>
        %dma_start3A_210 = arith.constant 128 : i32
        %dma_start3A_211 = arith.constant 0 : i32
        %dma_start3A_212 = tpu.memref_slice %dma_start3A_209[%dma_start3A_210, %dma_start3A_211] : memref<256x128xf32, #tpu.memory_space<vmem>> -> memref<128x128xf32, #tpu.memory_space<vmem>>
        %dma_start3A_213 = tpu.memref_slice %arg5[%add3A_204] : memref<13312xi32, #tpu.memory_space<vmem>> -> memref<128xi32, #tpu.memory_space<vmem>>
        %dma_start3A_214 = arith.constant 0 : i32
        %dma_start3A_215 = arith.constant 0 : i32
        %dma_start3A_216 = tpu.memref_slice %arg2[%dma_start3A_214, %dma_start3A_215] : memref<2662400x128xf32, #tpu.memory_space<hbm>> -> memref<2662400x128xf32, #tpu.memory_space<hbm>>
        tpu.enqueue_indirect_dma source(%dma_start3A_216 : memref<2662400x128xf32, #tpu.memory_space<hbm>>) target(%dma_start3A_212 : memref<128x128xf32, #tpu.memory_space<vmem>>) offsets(%dma_start3A_213 : memref<128xi32, #tpu.memory_space<vmem>>) semaphore(%arg7 : memref<!tpu.dma_semaphore, #tpu.memory_space<semaphore_mem>>)
      } else {
      }
      %mul3A_72 = arith.constant 256 : i32
      %mul3A_73 = arith.muli %add3A_67, %mul3A_72 : i32
      %add3A_74 = arith.constant 0 : i32
      %add3A_75 = arith.addi %mul3A_73, %add3A_74 : i32
      %dma_wait3A_76 = arith.constant 0 : i32
      %dma_wait3A_77 = arith.constant 0 : i32
      %dma_wait3A_78 = arith.constant 0 : i32
      %dma_wait3A_79 = tpu.memref_slice %arg6[%dma_wait3A_76, %dma_wait3A_77, %dma_wait3A_78] : memref<2x256x128xf32, #tpu.memory_space<vmem>> -> memref<1x256x128xf32, #tpu.memory_space<vmem>>
      %dma_wait3A_80 = tpu.memref_squeeze %dma_wait3A_79 : memref<1x256x128xf32, #tpu.memory_space<vmem>> -> memref<256x128xf32, #tpu.memory_space<vmem>>
      %dma_wait3A_81 = arith.constant 0 : i32
      %dma_wait3A_82 = arith.constant 0 : i32
      %dma_wait3A_83 = tpu.memref_slice %dma_wait3A_80[%dma_wait3A_81, %dma_wait3A_82] : memref<256x128xf32, #tpu.memory_space<vmem>> -> memref<128x128xf32, #tpu.memory_space<vmem>>
      %dma_wait3A_84 = tpu.memref_slice %arg5[%add3A_75] : memref<13312xi32, #tpu.memory_space<vmem>> -> memref<128xi32, #tpu.memory_space<vmem>>
      %dma_wait3A_85 = arith.constant 0 : i32
      %dma_wait3A_86 = arith.constant 0 : i32
      %dma_wait3A_87 = tpu.memref_slice %arg2[%dma_wait3A_85, %dma_wait3A_86] : memref<2662400x128xf32, #tpu.memory_space<hbm>> -> memref<2662400x128xf32, #tpu.memory_space<hbm>>
      tpu.wait_indirect_dma semaphore(%arg7 : memref<!tpu.dma_semaphore, #tpu.memory_space<semaphore_mem>>) src(%dma_wait3A_87 : memref<2662400x128xf32, #tpu.memory_space<hbm>>) dst(%dma_wait3A_83 : memref<128x128xf32, #tpu.memory_space<vmem>>)
      %mul3A_88 = arith.constant 256 : i32
      %mul3A_89 = arith.muli %add3A_67, %mul3A_88 : i32
      %add3A_90 = arith.constant 128 : i32
      %add3A_91 = arith.addi %mul3A_89, %add3A_90 : i32
      %dma_wait3A_92 = arith.constant 0 : i32
      %dma_wait3A_93 = arith.constant 0 : i32
      %dma_wait3A_94 = arith.constant 0 : i32
      %dma_wait3A_95 = tpu.memref_slice %arg6[%dma_wait3A_92, %dma_wait3A_93, %dma_wait3A_94] : memref<2x256x128xf32, #tpu.memory_space<vmem>> -> memref<1x256x128xf32, #tpu.memory_space<vmem>>
      %dma_wait3A_96 = tpu.memref_squeeze %dma_wait3A_95 : memref<1x256x128xf32, #tpu.memory_space<vmem>> -> memref<256x128xf32, #tpu.memory_space<vmem>>
      %dma_wait3A_97 = arith.constant 128 : i32
      %dma_wait3A_98 = arith.constant 0 : i32
      %dma_wait3A_99 = tpu.memref_slice %dma_wait3A_96[%dma_wait3A_97, %dma_wait3A_98] : memref<256x128xf32, #tpu.memory_space<vmem>> -> memref<128x128xf32, #tpu.memory_space<vmem>>
      %dma_wait3A_100 = tpu.memref_slice %arg5[%add3A_91] : memref<13312xi32, #tpu.memory_space<vmem>> -> memref<128xi32, #tpu.memory_space<vmem>>
      %dma_wait3A_101 = arith.constant 0 : i32
      %dma_wait3A_102 = arith.constant 0 : i32
      %dma_wait3A_103 = tpu.memref_slice %arg2[%dma_wait3A_101, %dma_wait3A_102] : memref<2662400x128xf32, #tpu.memory_space<hbm>> -> memref<2662400x128xf32, #tpu.memory_space<hbm>>
      tpu.wait_indirect_dma semaphore(%arg7 : memref<!tpu.dma_semaphore, #tpu.memory_space<semaphore_mem>>) src(%dma_wait3A_103 : memref<2662400x128xf32, #tpu.memory_space<hbm>>) dst(%dma_wait3A_99 : memref<128x128xf32, #tpu.memory_space<vmem>>)
      %mul3A_104 = arith.constant 256 : i32
      %mul3A_105 = arith.muli %add3A_67, %mul3A_104 : i32
      %add3A_106 = arith.addi %mul3A_2, %mul3A_105 : i32
      %dma_start3A_107 = arith.constant 0 : i32
      %dma_start3A_108 = arith.constant 0 : i32
      %dma_start3A_109 = arith.constant 0 : i32
      %dma_start3A_110 = tpu.memref_slice %arg6[%dma_start3A_107, %dma_start3A_108, %dma_start3A_109] : memref<2x256x128xf32, #tpu.memory_space<vmem>> -> memref<1x256x128xf32, #tpu.memory_space<vmem>>
      %dma_start3A_111 = tpu.memref_squeeze %dma_start3A_110 : memref<1x256x128xf32, #tpu.memory_space<vmem>> -> memref<256x128xf32, #tpu.memory_space<vmem>>
      %dma_start3A_112 = arith.constant 0 : i32
      %dma_start3A_113 = tpu.memref_slice %arg4[%add3A_106, %dma_start3A_112] : memref<425984x128xf32, #tpu.memory_space<hbm>> -> memref<256x128xf32, #tpu.memory_space<hbm>>
      %dma_start3A_114 = arith.constant 0 : i32
      %dma_start3A_115 = tpu.memref_slice %arg4[%add3A_106, %dma_start3A_114] : memref<425984x128xf32, #tpu.memory_space<hbm>> -> memref<256x128xf32, #tpu.memory_space<hbm>>
      %dma_start3A_116 = arith.constant 0 : i32
      %dma_start3A_117 = arith.constant 0 : i32
      %dma_start3A_118 = tpu.memref_slice %arg6[%dma_start3A_107, %dma_start3A_116, %dma_start3A_117] : memref<2x256x128xf32, #tpu.memory_space<vmem>> -> memref<1x256x128xf32, #tpu.memory_space<vmem>>
      %dma_start3A_119 = tpu.memref_squeeze %dma_start3A_118 : memref<1x256x128xf32, #tpu.memory_space<vmem>> -> memref<256x128xf32, #tpu.memory_space<vmem>>
      tpu.enqueue_dma source(%dma_start3A_119 : memref<256x128xf32, #tpu.memory_space<vmem>>) target(%dma_start3A_115 : memref<256x128xf32, #tpu.memory_space<hbm>>) target_semaphore(%arg8 : memref<!tpu.dma_semaphore, #tpu.memory_space<semaphore_mem>>)
      %add3A_120 = arith.constant 1 : i32
      %add3A_121 = arith.addi %add3A_65, %add3A_120 : i32
      %add3A_122 = arith.constant 1 : i32
      %add3A_123 = arith.addi %add3A_121, %add3A_122 : i32
      %lt3A_124 = arith.constant 52 : i32
      %lt3A_125 = arith.cmpi slt, %add3A_123, %lt3A_124 : i32
      %convert_element_type3A_126 = arith.extui %lt3A_125 : i1 to i32
      %cond3A_127 = arith.constant 0 : i32
      %cond3A_128 = arith.cmpi ne, %convert_element_type3A_126, %cond3A_127 : i32
      scf.if %cond3A_128 {
        %add3A_177 = arith.constant 1 : i32
        %add3A_178 = arith.addi %add3A_121, %add3A_177 : i32
        %ge3A = arith.constant 2 : i32
        %ge3A_179 = arith.cmpi sge, %add3A_178, %ge3A : i32
        %convert_element_type3A_180 = arith.extui %ge3A_179 : i1 to i32
        %cond3A_181 = arith.constant 0 : i32
        %cond3A_182 = arith.cmpi ne, %convert_element_type3A_180, %cond3A_181 : i32
        scf.if %cond3A_182 {
          %add3A_217 = arith.constant 1 : i32
          %add3A_218 = arith.addi %add3A_121, %add3A_217 : i32
          %sub3A = arith.constant 2 : i32
          %sub3A_219 = arith.subi %add3A_218, %sub3A : i32
          %mul3A_220 = arith.constant 256 : i32
          %mul3A_221 = arith.muli %sub3A_219, %mul3A_220 : i32
          %add3A_222 = arith.addi %mul3A_2, %mul3A_221 : i32
          %dma_wait3A_223 = arith.constant 0 : i32
          %dma_wait3A_224 = arith.constant 0 : i32
          %dma_wait3A_225 = arith.constant 0 : i32
          %dma_wait3A_226 = tpu.memref_slice %arg6[%dma_wait3A_223, %dma_wait3A_224, %dma_wait3A_225] : memref<2x256x128xf32, #tpu.memory_space<vmem>> -> memref<1x256x128xf32, #tpu.memory_space<vmem>>
          %dma_wait3A_227 = tpu.memref_squeeze %dma_wait3A_226 : memref<1x256x128xf32, #tpu.memory_space<vmem>> -> memref<256x128xf32, #tpu.memory_space<vmem>>
          %dma_wait3A_228 = arith.constant 0 : i32
          %dma_wait3A_229 = tpu.memref_slice %arg4[%add3A_222, %dma_wait3A_228] : memref<425984x128xf32, #tpu.memory_space<hbm>> -> memref<256x128xf32, #tpu.memory_space<hbm>>
          %dma_wait3A_230 = arith.constant 0 : i32
          %dma_wait3A_231 = tpu.memref_slice %arg4[%add3A_222, %dma_wait3A_230] : memref<425984x128xf32, #tpu.memory_space<hbm>> -> memref<256x128xf32, #tpu.memory_space<hbm>>
          %dma_wait3A_232 = arith.constant 0 : i32
          %dma_wait3A_233 = arith.constant 0 : i32
          %dma_wait3A_234 = tpu.memref_slice %arg6[%dma_wait3A_223, %dma_wait3A_232, %dma_wait3A_233] : memref<2x256x128xf32, #tpu.memory_space<vmem>> -> memref<1x256x128xf32, #tpu.memory_space<vmem>>
          %dma_wait3A_235 = tpu.memref_squeeze %dma_wait3A_234 : memref<1x256x128xf32, #tpu.memory_space<vmem>> -> memref<256x128xf32, #tpu.memory_space<vmem>>
          tpu.wait_dma2 semaphore(%arg8 : memref<!tpu.dma_semaphore, #tpu.memory_space<semaphore_mem>>) src(%dma_wait3A_235 : memref<256x128xf32, #tpu.memory_space<vmem>>) dst(%dma_wait3A_231 : memref<256x128xf32, #tpu.memory_space<hbm>>)
        } else {
        }
        %add3A_183 = arith.constant 1 : i32
        %add3A_184 = arith.addi %add3A_121, %add3A_183 : i32
        %mul3A_185 = arith.constant 256 : i32
        %mul3A_186 = arith.muli %add3A_184, %mul3A_185 : i32
        %add3A_187 = arith.constant 0 : i32
        %add3A_188 = arith.addi %mul3A_186, %add3A_187 : i32
        %dma_start3A_189 = arith.constant 0 : i32
        %dma_start3A_190 = arith.constant 0 : i32
        %dma_start3A_191 = arith.constant 0 : i32
        %dma_start3A_192 = tpu.memref_slice %arg6[%dma_start3A_189, %dma_start3A_190, %dma_start3A_191] : memref<2x256x128xf32, #tpu.memory_space<vmem>> -> memref<1x256x128xf32, #tpu.memory_space<vmem>>
        %dma_start3A_193 = tpu.memref_squeeze %dma_start3A_192 : memref<1x256x128xf32, #tpu.memory_space<vmem>> -> memref<256x128xf32, #tpu.memory_space<vmem>>
        %dma_start3A_194 = arith.constant 0 : i32
        %dma_start3A_195 = arith.constant 0 : i32
        %dma_start3A_196 = tpu.memref_slice %dma_start3A_193[%dma_start3A_194, %dma_start3A_195] : memref<256x128xf32, #tpu.memory_space<vmem>> -> memref<128x128xf32, #tpu.memory_space<vmem>>
        %dma_start3A_197 = tpu.memref_slice %arg5[%add3A_188] : memref<13312xi32, #tpu.memory_space<vmem>> -> memref<128xi32, #tpu.memory_space<vmem>>
        %dma_start3A_198 = arith.constant 0 : i32
        %dma_start3A_199 = arith.constant 0 : i32
        %dma_start3A_200 = tpu.memref_slice %arg2[%dma_start3A_198, %dma_start3A_199] : memref<2662400x128xf32, #tpu.memory_space<hbm>> -> memref<2662400x128xf32, #tpu.memory_space<hbm>>
        tpu.enqueue_indirect_dma source(%dma_start3A_200 : memref<2662400x128xf32, #tpu.memory_space<hbm>>) target(%dma_start3A_196 : memref<128x128xf32, #tpu.memory_space<vmem>>) offsets(%dma_start3A_197 : memref<128xi32, #tpu.memory_space<vmem>>) semaphore(%arg7 : memref<!tpu.dma_semaphore, #tpu.memory_space<semaphore_mem>>)
        %mul3A_201 = arith.constant 256 : i32
        %mul3A_202 = arith.muli %add3A_184, %mul3A_201 : i32
        %add3A_203 = arith.constant 128 : i32
        %add3A_204 = arith.addi %mul3A_202, %add3A_203 : i32
        %dma_start3A_205 = arith.constant 0 : i32
        %dma_start3A_206 = arith.constant 0 : i32
        %dma_start3A_207 = arith.constant 0 : i32
        %dma_start3A_208 = tpu.memref_slice %arg6[%dma_start3A_205, %dma_start3A_206, %dma_start3A_207] : memref<2x256x128xf32, #tpu.memory_space<vmem>> -> memref<1x256x128xf32, #tpu.memory_space<vmem>>
        %dma_start3A_209 = tpu.memref_squeeze %dma_start3A_208 : memref<1x256x128xf32, #tpu.memory_space<vmem>> -> memref<256x128xf32, #tpu.memory_space<vmem>>
        %dma_start3A_210 = arith.constant 128 : i32
        %dma_start3A_211 = arith.constant 0 : i32
        %dma_start3A_212 = tpu.memref_slice %dma_start3A_209[%dma_start3A_210, %dma_start3A_211] : memref<256x128xf32, #tpu.memory_space<vmem>> -> memref<128x128xf32, #tpu.memory_space<vmem>>
        %dma_start3A_213 = tpu.memref_slice %arg5[%add3A_204] : memref<13312xi32, #tpu.memory_space<vmem>> -> memref<128xi32, #tpu.memory_space<vmem>>
        %dma_start3A_214 = arith.constant 0 : i32
        %dma_start3A_215 = arith.constant 0 : i32
        %dma_start3A_216 = tpu.memref_slice %arg2[%dma_start3A_214, %dma_start3A_215] : memref<2662400x128xf32, #tpu.memory_space<hbm>> -> memref<2662400x128xf32, #tpu.memory_space<hbm>>
        tpu.enqueue_indirect_dma source(%dma_start3A_216 : memref<2662400x128xf32, #tpu.memory_space<hbm>>) target(%dma_start3A_212 : memref<128x128xf32, #tpu.memory_space<vmem>>) offsets(%dma_start3A_213 : memref<128xi32, #tpu.memory_space<vmem>>) semaphore(%arg7 : memref<!tpu.dma_semaphore, #tpu.memory_space<semaphore_mem>>)
      } else {
      }
      %mul3A_129 = arith.constant 256 : i32
      %mul3A_130 = arith.muli %add3A_121, %mul3A_129 : i32
      %add3A_131 = arith.constant 0 : i32
      %add3A_132 = arith.addi %mul3A_130, %add3A_131 : i32
      %dma_wait3A_133 = arith.constant 1 : i32
      %dma_wait3A_134 = arith.constant 0 : i32
      %dma_wait3A_135 = arith.constant 0 : i32
      %dma_wait3A_136 = tpu.memref_slice %arg6[%dma_wait3A_133, %dma_wait3A_134, %dma_wait3A_135] : memref<2x256x128xf32, #tpu.memory_space<vmem>> -> memref<1x256x128xf32, #tpu.memory_space<vmem>>
      %dma_wait3A_137 = tpu.memref_squeeze %dma_wait3A_136 : memref<1x256x128xf32, #tpu.memory_space<vmem>> -> memref<256x128xf32, #tpu.memory_space<vmem>>
      %dma_wait3A_138 = arith.constant 0 : i32
      %dma_wait3A_139 = arith.constant 0 : i32
      %dma_wait3A_140 = tpu.memref_slice %dma_wait3A_137[%dma_wait3A_138, %dma_wait3A_139] : memref<256x128xf32, #tpu.memory_space<vmem>> -> memref<128x128xf32, #tpu.memory_space<vmem>>
      %dma_wait3A_141 = tpu.memref_slice %arg5[%add3A_132] : memref<13312xi32, #tpu.memory_space<vmem>> -> memref<128xi32, #tpu.memory_space<vmem>>
      %dma_wait3A_142 = arith.constant 0 : i32
      %dma_wait3A_143 = arith.constant 0 : i32
      %dma_wait3A_144 = tpu.memref_slice %arg2[%dma_wait3A_142, %dma_wait3A_143] : memref<2662400x128xf32, #tpu.memory_space<hbm>> -> memref<2662400x128xf32, #tpu.memory_space<hbm>>
      tpu.wait_indirect_dma semaphore(%arg7 : memref<!tpu.dma_semaphore, #tpu.memory_space<semaphore_mem>>) src(%dma_wait3A_144 : memref<2662400x128xf32, #tpu.memory_space<hbm>>) dst(%dma_wait3A_140 : memref<128x128xf32, #tpu.memory_space<vmem>>)
      %mul3A_145 = arith.constant 256 : i32
      %mul3A_146 = arith.muli %add3A_121, %mul3A_145 : i32
      %add3A_147 = arith.constant 128 : i32
      %add3A_148 = arith.addi %mul3A_146, %add3A_147 : i32
      %dma_wait3A_149 = arith.constant 1 : i32
      %dma_wait3A_150 = arith.constant 0 : i32
      %dma_wait3A_151 = arith.constant 0 : i32
      %dma_wait3A_152 = tpu.memref_slice %arg6[%dma_wait3A_149, %dma_wait3A_150, %dma_wait3A_151] : memref<2x256x128xf32, #tpu.memory_space<vmem>> -> memref<1x256x128xf32, #tpu.memory_space<vmem>>
      %dma_wait3A_153 = tpu.memref_squeeze %dma_wait3A_152 : memref<1x256x128xf32, #tpu.memory_space<vmem>> -> memref<256x128xf32, #tpu.memory_space<vmem>>
      %dma_wait3A_154 = arith.constant 128 : i32
      %dma_wait3A_155 = arith.constant 0 : i32
      %dma_wait3A_156 = tpu.memref_slice %dma_wait3A_153[%dma_wait3A_154, %dma_wait3A_155] : memref<256x128xf32, #tpu.memory_space<vmem>> -> memref<128x128xf32, #tpu.memory_space<vmem>>
      %dma_wait3A_157 = tpu.memref_slice %arg5[%add3A_148] : memref<13312xi32, #tpu.memory_space<vmem>> -> memref<128xi32, #tpu.memory_space<vmem>>
      %dma_wait3A_158 = arith.constant 0 : i32
      %dma_wait3A_159 = arith.constant 0 : i32
      %dma_wait3A_160 = tpu.memref_slice %arg2[%dma_wait3A_158, %dma_wait3A_159] : memref<2662400x128xf32, #tpu.memory_space<hbm>> -> memref<2662400x128xf32, #tpu.memory_space<hbm>>
      tpu.wait_indirect_dma semaphore(%arg7 : memref<!tpu.dma_semaphore, #tpu.memory_space<semaphore_mem>>) src(%dma_wait3A_160 : memref<2662400x128xf32, #tpu.memory_space<hbm>>) dst(%dma_wait3A_156 : memref<128x128xf32, #tpu.memory_space<vmem>>)
      %mul3A_161 = arith.constant 256 : i32
      %mul3A_162 = arith.muli %add3A_121, %mul3A_161 : i32
      %add3A_163 = arith.addi %mul3A_2, %mul3A_162 : i32
      %dma_start3A_164 = arith.constant 1 : i32
      %dma_start3A_165 = arith.constant 0 : i32
      %dma_start3A_166 = arith.constant 0 : i32
      %dma_start3A_167 = tpu.memref_slice %arg6[%dma_start3A_164, %dma_start3A_165, %dma_start3A_166] : memref<2x256x128xf32, #tpu.memory_space<vmem>> -> memref<1x256x128xf32, #tpu.memory_space<vmem>>
      %dma_start3A_168 = tpu.memref_squeeze %dma_start3A_167 : memref<1x256x128xf32, #tpu.memory_space<vmem>> -> memref<256x128xf32, #tpu.memory_space<vmem>>
      %dma_start3A_169 = arith.constant 0 : i32
      %dma_start3A_170 = tpu.memref_slice %arg4[%add3A_163, %dma_start3A_169] : memref<425984x128xf32, #tpu.memory_space<hbm>> -> memref<256x128xf32, #tpu.memory_space<hbm>>
      %dma_start3A_171 = arith.constant 0 : i32
      %dma_start3A_172 = tpu.memref_slice %arg4[%add3A_163, %dma_start3A_171] : memref<425984x128xf32, #tpu.memory_space<hbm>> -> memref<256x128xf32, #tpu.memory_space<hbm>>
      %dma_start3A_173 = arith.constant 0 : i32
      %dma_start3A_174 = arith.constant 0 : i32
      %dma_start3A_175 = tpu.memref_slice %arg6[%dma_start3A_164, %dma_start3A_173, %dma_start3A_174] : memref<2x256x128xf32, #tpu.memory_space<vmem>> -> memref<1x256x128xf32, #tpu.memory_space<vmem>>
      %dma_start3A_176 = tpu.memref_squeeze %dma_start3A_175 : memref<1x256x128xf32, #tpu.memory_space<vmem>> -> memref<256x128xf32, #tpu.memory_space<vmem>>
      tpu.enqueue_dma source(%dma_start3A_176 : memref<256x128xf32, #tpu.memory_space<vmem>>) target(%dma_start3A_172 : memref<256x128xf32, #tpu.memory_space<hbm>>) target_semaphore(%arg8 : memref<!tpu.dma_semaphore, #tpu.memory_space<semaphore_mem>>)
    }
    %scan3A_31 = arith.constant 26 : i32
    %add3A_32 = arith.constant 12800 : i32
    %add3A_33 = arith.addi %mul3A_2, %add3A_32 : i32
    %dma_wait3A = arith.constant 0 : i32
    %dma_wait3A_34 = arith.constant 0 : i32
    %dma_wait3A_35 = arith.constant 0 : i32
    %dma_wait3A_36 = tpu.memref_slice %arg6[%dma_wait3A, %dma_wait3A_34, %dma_wait3A_35] : memref<2x256x128xf32, #tpu.memory_space<vmem>> -> memref<1x256x128xf32, #tpu.memory_space<vmem>>
    %dma_wait3A_37 = tpu.memref_squeeze %dma_wait3A_36 : memref<1x256x128xf32, #tpu.memory_space<vmem>> -> memref<256x128xf32, #tpu.memory_space<vmem>>
    %dma_wait3A_38 = arith.constant 0 : i32
    %dma_wait3A_39 = tpu.memref_slice %arg4[%add3A_33, %dma_wait3A_38] : memref<425984x128xf32, #tpu.memory_space<hbm>> -> memref<256x128xf32, #tpu.memory_space<hbm>>
    %dma_wait3A_40 = arith.constant 0 : i32
    %dma_wait3A_41 = tpu.memref_slice %arg4[%add3A_33, %dma_wait3A_40] : memref<425984x128xf32, #tpu.memory_space<hbm>> -> memref<256x128xf32, #tpu.memory_space<hbm>>
    %dma_wait3A_42 = arith.constant 0 : i32
    %dma_wait3A_43 = arith.constant 0 : i32
    %dma_wait3A_44 = tpu.memref_slice %arg6[%dma_wait3A, %dma_wait3A_42, %dma_wait3A_43] : memref<2x256x128xf32, #tpu.memory_space<vmem>> -> memref<1x256x128xf32, #tpu.memory_space<vmem>>
    %dma_wait3A_45 = tpu.memref_squeeze %dma_wait3A_44 : memref<1x256x128xf32, #tpu.memory_space<vmem>> -> memref<256x128xf32, #tpu.memory_space<vmem>>
    tpu.wait_dma2 semaphore(%arg8 : memref<!tpu.dma_semaphore, #tpu.memory_space<semaphore_mem>>) src(%dma_wait3A_45 : memref<256x128xf32, #tpu.memory_space<vmem>>) dst(%dma_wait3A_41 : memref<256x128xf32, #tpu.memory_space<hbm>>)
    %add3A_46 = arith.constant 13056 : i32
    %add3A_47 = arith.addi %mul3A_2, %add3A_46 : i32
    %dma_wait3A_48 = arith.constant 1 : i32
    %dma_wait3A_49 = arith.constant 0 : i32
    %dma_wait3A_50 = arith.constant 0 : i32
    %dma_wait3A_51 = tpu.memref_slice %arg6[%dma_wait3A_48, %dma_wait3A_49, %dma_wait3A_50] : memref<2x256x128xf32, #tpu.memory_space<vmem>> -> memref<1x256x128xf32, #tpu.memory_space<vmem>>
    %dma_wait3A_52 = tpu.memref_squeeze %dma_wait3A_51 : memref<1x256x128xf32, #tpu.memory_space<vmem>> -> memref<256x128xf32, #tpu.memory_space<vmem>>
    %dma_wait3A_53 = arith.constant 0 : i32
    %dma_wait3A_54 = tpu.memref_slice %arg4[%add3A_47, %dma_wait3A_53] : memref<425984x128xf32, #tpu.memory_space<hbm>> -> memref<256x128xf32, #tpu.memory_space<hbm>>
    %dma_wait3A_55 = arith.constant 0 : i32
    %dma_wait3A_56 = tpu.memref_slice %arg4[%add3A_47, %dma_wait3A_55] : memref<425984x128xf32, #tpu.memory_space<hbm>> -> memref<256x128xf32, #tpu.memory_space<hbm>>
    %dma_wait3A_57 = arith.constant 0 : i32
    %dma_wait3A_58 = arith.constant 0 : i32
    %dma_wait3A_59 = tpu.memref_slice %arg6[%dma_wait3A_48, %dma_wait3A_57, %dma_wait3A_58] : memref<2x256x128xf32, #tpu.memory_space<vmem>> -> memref<1x256x128xf32, #tpu.memory_space<vmem>>
    %dma_wait3A_60 = tpu.memref_squeeze %dma_wait3A_59 : memref<1x256x128xf32, #tpu.memory_space<vmem>> -> memref<256x128xf32, #tpu.memory_space<vmem>>
    tpu.wait_dma2 semaphore(%arg8 : memref<!tpu.dma_semaphore, #tpu.memory_space<semaphore_mem>>) src(%dma_wait3A_60 : memref<256x128xf32, #tpu.memory_space<vmem>>) dst(%dma_wait3A_56 : memref<256x128xf32, #tpu.memory_space<hbm>>)
    return
  }
}

module attributes {stable_mosaic.version = 14 : i64} {
  func.func @_tpad_block(%arg0: i32, %arg1: i32, %arg2: memref<1x50x10240xf32, #tpu.memory_space<vmem>>, %arg3: memref<1x10240x128xf32, #tpu.memory_space<vmem>>) attributes {dimension_semantics = [#tpu.dimension_semantics<arbitrary>, #tpu.dimension_semantics<arbitrary>], iteration_bounds = array<i64: 26, 10>, scalar_prefetch = 0 : i64, scratch_operands = 0 : i64, tpu.core_type = #tpu.core_type<tc>, window_params = [{transform_indices = @transform_0, window_bounds = array<i64: 1, 50, 10240>}, {transform_indices = @transform_1, window_bounds = array<i64: 1, 10240, 128>}]} {
    %get3A = arith.constant 0 : index
    %get3A_0 = arith.constant 0 : index
    %get3A_1 = arith.constant 0 : index
    %get3A_2 = vector.load %arg2[%get3A, %get3A_0, %get3A_1] : memref<1x50x10240xf32, #tpu.memory_space<vmem>>, vector<1x50x10240xf32>
    %get3A_3 = vector.shape_cast %get3A_2 : vector<1x50x10240xf32> to vector<50x10240xf32>
    %transpose3A = tpu.transpose %get3A_3, [1, 0] : vector<50x10240xf32> -> vector<10240x50xf32>
    %broadcast_in_dim3A = arith.constant 0.000000e+00 : f32
    %broadcast_in_dim3A_4 = vector.broadcast %broadcast_in_dim3A : f32 to vector<10240x78xf32>
    %concatenate3A = tpu.concatenate %transpose3A, %broadcast_in_dim3A_4 in 1 : vector<10240x50xf32>, vector<10240x78xf32> -> vector<10240x128xf32>
    %swap3A = arith.constant 0 : index
    %swap3A_5 = arith.constant 0 : index
    %swap3A_6 = arith.constant 0 : index
    %swap3A_7 = vector.load %arg3[%swap3A, %swap3A_5, %swap3A_6] : memref<1x10240x128xf32, #tpu.memory_space<vmem>>, vector<1x10240x128xf32>
    %swap3A_8 = vector.shape_cast %swap3A_7 : vector<1x10240x128xf32> to vector<10240x128xf32>
    %swap3A_9 = vector.shape_cast %concatenate3A : vector<10240x128xf32> to vector<1x10240x128xf32>
    tpu.vector_store %arg3[%swap3A, %swap3A_5, %swap3A_6], %swap3A_9 {strides = array<i32>} : memref<1x10240x128xf32, #tpu.memory_space<vmem>>, vector<1x10240x128xf32>,
    return
  }
  func.func @transform_0(%arg0: i32, %arg1: i32) -> (i32, i32, i32) {
    %c0_i32 = arith.constant 0 : i32
    %c0_i32_0 = arith.constant 0 : i32
    return %arg0, %c0_i32, %arg1 : i32, i32, i32
  }
  func.func @transform_1(%arg0: i32, %arg1: i32) -> (i32, i32, i32) {
    %c0_i32 = arith.constant 0 : i32
    %c0_i32_0 = arith.constant 0 : i32
    return %arg0, %arg1, %c0_i32 : i32, i32, i32
  }
}

module attributes {stable_mosaic.version = 14 : i64} {
  func.func @_mlp_block(%arg0: i32, %arg1: memref<1024x3328xf32, #tpu.memory_space<vmem>>, %arg2: memref<3328x300xf32, #tpu.memory_space<vmem>>, %arg3: memref<1x300xf32, #tpu.memory_space<vmem>>, %arg4: memref<300x1xf32, #tpu.memory_space<vmem>>, %arg5: memref<1x1xf32, #tpu.memory_space<vmem>>, %arg6: memref<1024x1xf32, #tpu.memory_space<vmem>>) attributes {dimension_semantics = [#tpu.dimension_semantics<arbitrary>], iteration_bounds = array<i64: 16>, scalar_prefetch = 0 : i64, scratch_operands = 0 : i64, tpu.core_type = #tpu.core_type<tc>, window_params = [{transform_indices = @transform_0, window_bounds = array<i64: 1024, 3328>}, {pipeline_mode = #tpu.pipeline_mode<synchronous>, transform_indices = @transform_1, window_bounds = array<i64: 3328, 300>}, {pipeline_mode = #tpu.pipeline_mode<synchronous>, transform_indices = @transform_2, window_bounds = array<i64: 1, 300>}, {pipeline_mode = #tpu.pipeline_mode<synchronous>, transform_indices = @transform_3, window_bounds = array<i64: 300, 1>}, {pipeline_mode = #tpu.pipeline_mode<synchronous>, transform_indices = @transform_4, window_bounds = array<i64: 1, 1>}, {transform_indices = @transform_5, window_bounds = array<i64: 1024, 1>}]} {
    %get3A = arith.constant 0 : index
    %get3A_0 = arith.constant 0 : index
    %get3A_1 = vector.load %arg1[%get3A, %get3A_0] : memref<1024x3328xf32, #tpu.memory_space<vmem>>, vector<1024x3328xf32>
    %convert_element_type3A = arith.truncf %get3A_1 : vector<1024x3328xf32> to vector<1024x3328xbf16>
    %get3A_2 = arith.constant 0 : index
    %get3A_3 = arith.constant 0 : index
    %get3A_4 = vector.load %arg2[%get3A_2, %get3A_3] : memref<3328x300xf32, #tpu.memory_space<vmem>>, vector<3328x300xf32>
    %convert_element_type3A_5 = arith.truncf %get3A_4 : vector<3328x300xf32> to vector<3328x300xbf16>
    %dot_general3A = arith.constant dense<0.000000e+00> : vector<1024x300xf32>
    %dot_general3A_6 = tpu.matmul %convert_element_type3A, %convert_element_type3A_5, %dot_general3A {dimension_numbers = #tpu.dot_dimension_numbers<[1], [0], [0], [1], [0, 0, 1, 1], [], []>, transpose_lhs_hint = false} : vector<1024x3328xbf16>, vector<3328x300xbf16>, vector<1024x300xf32> -> vector<1024x300xf32>
    %get3A_7 = arith.constant 0 : index
    %get3A_8 = arith.constant 0 : index
    %get3A_9 = vector.load %arg3[%get3A_7, %get3A_8] : memref<1x300xf32, #tpu.memory_space<vmem>>, vector<1x300xf32>
    %add3A = vector.broadcast %get3A_9 : vector<1x300xf32> to vector<1024x300xf32>
    %add3A_10 = arith.addf %dot_general3A_6, %add3A : vector<1024x300xf32>
    %max3A = arith.constant 0.000000e+00 : f32
    %max3A_11 = vector.broadcast %max3A : f32 to vector<1024x300xf32>
    %max3A_12 = arith.maximumf %add3A_10, %max3A_11 : vector<1024x300xf32>
    %convert_element_type3A_13 = arith.truncf %max3A_12 : vector<1024x300xf32> to vector<1024x300xbf16>
    %get3A_14 = arith.constant 0 : index
    %get3A_15 = arith.constant 0 : index
    %get3A_16 = vector.load %arg4[%get3A_14, %get3A_15] : memref<300x1xf32, #tpu.memory_space<vmem>>, vector<300x1xf32>
    %convert_element_type3A_17 = arith.truncf %get3A_16 : vector<300x1xf32> to vector<300x1xbf16>
    %dot_general3A_18 = arith.constant dense<0.000000e+00> : vector<1024x1xf32>
    %dot_general3A_19 = tpu.matmul %convert_element_type3A_13, %convert_element_type3A_17, %dot_general3A_18 {dimension_numbers = #tpu.dot_dimension_numbers<[1], [0], [0], [1], [0, 0, 1, 1], [], []>, transpose_lhs_hint = false} : vector<1024x300xbf16>, vector<300x1xbf16>, vector<1024x1xf32> -> vector<1024x1xf32>
    %get3A_20 = arith.constant 0 : index
    %get3A_21 = arith.constant 0 : index
    %get3A_22 = vector.load %arg5[%get3A_20, %get3A_21] : memref<1x1xf32, #tpu.memory_space<vmem>>, vector<1x1xf32>
    %add3A_23 = vector.broadcast %get3A_22 : vector<1x1xf32> to vector<1024x1xf32>
    %add3A_24 = arith.addf %dot_general3A_19, %add3A_23 : vector<1024x1xf32>
    %logistic3A = arith.negf %add3A_24 : vector<1024x1xf32>
    %logistic3A_25 = math.exp %logistic3A : vector<1024x1xf32>
    %logistic3A_26 = arith.constant 1.000000e+00 : f32
    %logistic3A_27 = vector.broadcast %logistic3A_26 : f32 to vector<1024x1xf32>
    %logistic3A_28 = arith.addf %logistic3A_27, %logistic3A_25 : vector<1024x1xf32>
    %logistic3A_29 = arith.divf %logistic3A_27, %logistic3A_28 : vector<1024x1xf32>
    %swap3A = arith.constant 0 : index
    %swap3A_30 = arith.constant 0 : index
    %swap3A_31 = vector.load %arg6[%swap3A, %swap3A_30] : memref<1024x1xf32, #tpu.memory_space<vmem>>, vector<1024x1xf32>
    tpu.vector_store %arg6[%swap3A, %swap3A_30], %logistic3A_29 {strides = array<i32>} : memref<1024x1xf32, #tpu.memory_space<vmem>>, vector<1024x1xf32>,
    return
  }
  func.func @transform_0(%arg0: i32) -> (i32, i32) {
    %c0_i32 = arith.constant 0 : i32
    %c0_i32_0 = arith.constant 0 : i32
    return %arg0, %c0_i32 : i32, i32
  }
  func.func @transform_1(%arg0: i32) -> (i32, i32) {
    %c0_i32 = arith.constant 0 : i32
    %c0_i32_0 = arith.constant 0 : i32
    %c0_i32_1 = arith.constant 0 : i32
    return %c0_i32, %c0_i32_0 : i32, i32
  }
  func.func @transform_2(%arg0: i32) -> (i32, i32) {
    %c0_i32 = arith.constant 0 : i32
    %c0_i32_0 = arith.constant 0 : i32
    %c0_i32_1 = arith.constant 0 : i32
    return %c0_i32, %c0_i32_0 : i32, i32
  }
  func.func @transform_3(%arg0: i32) -> (i32, i32) {
    %c0_i32 = arith.constant 0 : i32
    %c0_i32_0 = arith.constant 0 : i32
    %c0_i32_1 = arith.constant 0 : i32
    return %c0_i32, %c0_i32_0 : i32, i32
  }
  func.func @transform_4(%arg0: i32) -> (i32, i32) {
    %c0_i32 = arith.constant 0 : i32
    %c0_i32_0 = arith.constant 0 : i32
    %c0_i32_1 = arith.constant 0 : i32
    return %c0_i32, %c0_i32_0 : i32, i32
  }
  func.func @transform_5(%arg0: i32) -> (i32, i32) {
    %c0_i32 = arith.constant 0 : i32
    %c0_i32_0 = arith.constant 0 : i32
    return %arg0, %c0_i32 : i32, i32
  }
}

</mosaic_0001>

<sc_bundles>
// kernel: kernel.5.cloned.1.call-start
scs
__scs_entry_jumppad:
0x0: {  	(pc) =	sbr.rel $0x88, $3  }
0x1: {  	(tag) =	ssettag $0x0;
	lr =	simm.s32 $0x1  }
0x2: {  	[smem:$0x3F9B] =	sst lr;
	_ =	strace $0xD0000000  }
0x3: {  	_ = 	snop  }
0x4: {  	_ = 	snop  }
0x5: {  	_ = 	snop  }
0x6: {  	_ = 	snop  }
0x7: {  	_ = 	snop  }
__scs_overlays_trampoline_lowered:
0x8: {  	[smem:$0x3FAA] =	sst s0  }
0x9: {  	[smem:$0x3FAB] =	sst s1  }
0xa: {  	[smem:$0x3FAC] =	sst s2  }
0xb: {  	[smem:$0x3FAD] =	sst s3  }
0xc: {  	[smem:$0x3FAE] =	sst s4  }
0xd: {  	[smem:$0x3FAF] =	sst s5  }
0xe: {  	[smem:$0x3FB0] =	sst s6  }
0xf: {  	[smem:$0x3FB1] =	sst s7  }
0x10: {  	[smem:$0x3FB2] =	sst s8  }
0x11: {  	[smem:$0x3FB3] =	sst s9;
	s0 =	simm.s32 @!p0 $0x0  }
0x12: {  	s1 =	sld [smem:$0x3F99];
	s0 =	simm.s32 @p0 $0x1  }
0x13: {  	[smem:$0x3FB4] =	sst s0;
	s0 =	simm.s32 @!p1 $0x0  }
0x14: {  	s2 =	sld [smem:$0x3F98];
	s0 =	simm.s32 @p1 $0x1  }
0x15: {  	[smem:$0x3FB5] =	sst s0;
	s0 =	simm.s32 @!p2 $0x0  }
0x16: {  	s3 =	sld [smem:$0x3FDB];
	s0 =	simm.s32 @p2 $0x1  }
0x17: {  	s4 =	simm.s32 $0x1BF5;
	[smem:$0x3FB7] =	sst s0  }
0x18: {  	s0 =	sld [smem:$0x3F9A];
	_ =	swait.ge [sflag:s4], $0x0  }
0x19: {  	s7 =	sld [smem:$0x3F9B]  }
0x1a: {  	s8 =	sadd.s32 $0xFFFFE003, lr  }
0x1b: {  	s9 =	sadd.s32 $0xFFFFFEF7, lr;
	s5 =	simm.s32 $0xFFFFFFFF;
	p2 =	slt.u32 s8, $0xFFFFF086  }
0x1c: {  	p1 =	slt.u32 s9, $0xF7A;
	s5 =	simm.s32 @!p2 $0x0  }
0x1d: {  	s5 =	simm.s32 @p1 $0x1;
	p0 =	seq.s32 s7, s2  }
0x1e: {  	s7 =	smul.u32 @!p0 $0xF7A, s2;
	p2 =	seq.s32 @!p0 s5, $0x0  }
0x1f: {  	s9 =	smul.u32 $0xF7A, s1;
	s8 =	simm.s32 @!p0 $0x1BF5;
	p2 =	por !p2, p0  }
0x20: {  	[sflag:s8] =	ssyncset.s32 @!p0 $0xFFFFF086;
	s6 =	sadd.s32 @!p0 s3, s7;
	s7 =	simm.s32 @!p0 $0x108  }
0x21: {  	s3 =	sadd.s32 s3, s9;
	s6 =	sadd.s32 @!p0 $0x88, s6;
	s7 =	simm.s32 @p2 $0x1082  }
0x22: {  	[simem:s7], [sflag:s8] =	dma.local @!p0 [hbm:s6], $0xF7A  }
0x23: {  	s9 =	sor.u32 $0xD0000000, s2;
	s6 =	simm.s32 $0x108;
	_ =	swait.ge @!p0 [sflag:s8], $0x0  }
0x24: {  	s3 =	sadd.s32 $0x88, s3;
	s6 =	simm.s32 @!p1 $0x1082;
	[sflag:s4] =	ssyncset.s32 $0xFFFFF086  }
0x25: {  	[simem:s6], [sflag:s4] =	dma.local [hbm:s3], $0xF7A  }
0x26: {  	[smem:$0x3F9B] =	sst s1;
	(tag) =	ssettag s2;
	_ =	strace s9  }
0x27: {  	s1 =	sld [smem:$0x3FAB]  }
0x28: {  	s2 =	sld [smem:$0x3FAC]  }
0x29: {  	s4 =	sld [smem:$0x3FAE]  }
0x2a: {  	p0 =	seq.s32 s5, $0x0;
	s5 =	sld [smem:$0x3FAF]  }
0x2b: {  	s6 =	sld [smem:$0x3FB0]  }
0x2c: {  	s7 =	sld [smem:$0x3FB1]  }
0x2d: {  	s3 =	simm.s32 $0x108;
	s8 =	sld [smem:$0x3FB2]  }
0x2e: {  	s3 =	simm.s32 @!p0 $0x1082;
	s9 =	sld [smem:$0x3FB3]  }
0x2f: {  	lr =	sadd.s32 s0, s3;
	s0 =	sld [smem:$0x3FAA]  }
0x30: {  	s3 =	sld [smem:$0x3FAD]  }
0x31: {  	[smem:$0x3FB6] =	sst s10  }
0x32: {  	s10 =	sld [smem:$0x3FB4];
	_ =	sdelay $0x3  }
0x33: {  	p0 =	seq.s32 s10, $0x1;
	s10 =	sld [smem:$0x3FB6];
	_ =	sdelay $0x3  }
0x34: {  	[smem:$0x3FB6] =	sst s10  }
0x35: {  	s10 =	sld [smem:$0x3FB5];
	_ =	sdelay $0x3  }
0x36: {  	p1 =	seq.s32 s10, $0x1;
	s10 =	sld [smem:$0x3FB6];
	_ =	sdelay $0x3  }
0x37: {  	[smem:$0x3FB6] =	sst s10  }
0x38: {  	s10 =	sld [smem:$0x3FB7]  }
0x39: {  	_ = 	snop;
	(pc) =	sbr.ind lr, $3  }
0x3a: {  	_ = 	snop  }
0x3b: {  	_ = 	snop  }
0x3c: {  	p2 =	seq.s32 s10, $0x1;
	s10 =	sld [smem:$0x3FB6]  }
0x3d: {  	_ =	shalt  }
0x3e: {  	_ =	shalt  }
0x3f: {  	_ =	shalt  }
0x40: {  	_ =	shalt  }
0x41: {  	_ =	shalt  }
0x42: {  	_ =	shalt  }
0x43: {  	_ =	shalt  }
0x44: {  	_ =	shalt  }
0x45: {  	_ =	shalt  }
0x46: {  	_ =	shalt  }
0x47: {  	_ =	shalt  }
0x48: {  	_ =	shalt  }
0x49: {  	_ =	shalt  }
0x4a: {  	_ =	shalt  }
0x4b: {  	_ =	shalt  }
0x4c: {  	_ =	shalt  }
0x4d: {  	_ =	shalt  }
0x4e: {  	_ =	shalt  }
0x4f: {  	_ =	shalt  }
0x50: {  	_ =	shalt  }
0x51: {  	_ =	shalt  }
0x52: {  	_ =	shalt  }
0x53: {  	_ =	shalt  }
0x54: {  	_ =	shalt  }
0x55: {  	_ =	shalt  }
0x56: {  	_ =	shalt  }
0x57: {  	_ =	shalt  }
0x58: {  	_ =	shalt  }
0x59: {  	_ =	shalt  }
0x5a: {  	_ =	shalt  }
0x5b: {  	_ =	shalt  }
0x5c: {  	_ =	shalt  }
0x5d: {  	_ =	shalt  }
0x5e: {  	_ =	shalt  }
0x5f: {  	_ =	shalt  }
0x60: {  	_ =	shalt  }
0x61: {  	_ =	shalt  }
0x62: {  	_ =	shalt  }
0x63: {  	_ =	shalt  }
0x64: {  	_ =	shalt  }
0x65: {  	_ =	shalt  }
0x66: {  	_ =	shalt  }
0x67: {  	_ =	shalt  }
0x68: {  	_ =	shalt  }
0x69: {  	_ =	shalt  }
0x6a: {  	_ =	shalt  }
0x6b: {  	_ =	shalt  }
0x6c: {  	_ =	shalt  }
0x6d: {  	_ =	shalt  }
0x6e: {  	_ =	shalt  }
0x6f: {  	_ =	shalt  }
0x70: {  	_ =	shalt  }
0x71: {  	_ =	shalt  }
0x72: {  	_ =	shalt  }
0x73: {  	_ =	shalt  }
0x74: {  	_ =	shalt  }
0x75: {  	_ =	shalt  }
0x76: {  	_ =	shalt  }
0x77: {  	_ =	shalt  }
0x78: {  	_ =	shalt  }
0x79: {  	_ =	shalt  }
0x7a: {  	_ =	shalt  }
0x7b: {  	_ =	shalt  }
0x7c: {  	_ =	shalt  }
0x7d: {  	_ =	shalt  }
0x7e: {  	_ =	shalt  }
0x7f: {  	_ =	shalt  }
0x80: {  	_ =	shalt  }
0x81: {  	_ =	shalt  }
0x82: {  	_ =	shalt  }
0x83: {  	_ =	shalt  }
0x84: {  	_ =	shalt  }
0x85: {  	_ =	shalt  }
0x86: {  	_ =	shalt  }
0x87: {  	_ =	shalt  }
.Lfunc_end0:
.L_simem_size_0:
called_computation_lowered:
.L_overlay_start_0:
0x88: {  	s2 =	sld [smem:$0x3FD9]  }
0x89: {  	s3 =	sld [smem:$0x3FFE];
	_ =	sdelay $0x1  }
0x8a: {  	s1 =	srdreg.scid  }
0x8b: {  	s0 =	sand.u32 $0x1, s1  }
0x8c: {  	s16 =	sshll.u32 s0, $0xA;
	s2 =	sadd.s32 s3, s2  }
0x8d: {  	s2 =	sadd.s32 s2, s16  }
0x8e: {  	[smem:$0x3FC2] =	sst s2  }
0x8f: {  	_ = 	snop  }
0x90: {  	(tm) =	ssettm $0x1  }
0x91: {  	s17 =	sld [smem:$0x3FFB];
	_ =	sdelay $0x3  }
0x92: {  	_ =	strace s17  }
0x93: {  	s2 =	sld [smem:$0x3FFC];
	_ =	sdelay $0x3  }
0x94: {  	_ =	strace s2  }
0x95: {  	s2 =	sld [smem:$0x3FFD];
	_ =	sdelay $0x3  }
0x96: {  	_ =	strace s2  }
0x97: {  	_ =	strace $0x8FFFFFFF  }
0x98: {  	s18 =	sld [smem:$0x3FDB];
	_ =	sdelay $0x1  }
0x99: {  	s19 =	simm.s32 $_scs_section_size  }
0x9a: {  	s4 =	simm.s32 $_size__tile_overlayer_lowered;
	s5 =	simm.s32 $_tile_overlayer_lowered  }
0x9b: {  	s22 =	simm.s32 $0x1BFF;
	s21 =	sshll.u32 s5, $0x1;
	s2 =	sadd.s32 s19, s18  }
0x9c: {  	s6 =	simm.s32 $0x0;
	s20 =	sshll.u32 s4, $0x1;
	s4 =	sadd.s32 s21, s2  }
0x9d: {  	[timem:s6], [sflag:s22] =	dma.local [hbm:s4], s20  }
0x9e: {  	_ =	swait.ge [sflag:s22], s20  }
0x9f: {  	s3 =	ssub.s32 $0x0, s20;
	[sflag:s22] =	ssyncset.done $0x0  }
0xa0: {  	[sflag:s22] =	ssyncadd.s32 s3;
	_ =	sdelay $0x1  }
0xa1: {  	s23 =	simm.s32 $0x1B8B  }
0xa2: {  	_ =	swait.ge [sflag:s23], $0x1  }
0xa3: {  	[sflag:s23] =	ssyncset.done $0x0  }
0xa4: {  	s25 =	simm.s32 $0x1B8E;
	s24 =	sld [smem:$0x3FFE];
	[sflag:s23] =	ssyncadd.s32 $0xFFFFFFFF  }
0xa5: {  	s26 =	simm.s32 $execute0_lowered;
	[smem:$0x3FD2] =	sst s25  }
0xa6: {  	s4 =	sshll.u32 s26, $0x1;
	_ =	strace $0x80000046;
	[dreg:$0x1] =	wrdreg $0xFFFFFFFF  }
0xa7: {  	s28 =	simm.s32 $_size_execute0_lowered;
	s2 =	sadd.s32 s2, s4;
	[dreg:$0x0] =	wrdreg $0x0  }
0xa8: {  	s4 =	sshll.u32 s28, $0x1;
	[dreg:$0x2] =	wrdreg s2  }
0xa9: {  	[dreg:$0x3] =	wrdreg s4  }
0xaa: {  	[dreg:$0x4] =	wrdreg $0xC0  }
0xab: {  	_ =	task [dreg:s6], $0x5FFFF  }
0xac: {  	[dreg:$0x1] =	wrdreg $0xFFFFFFFF  }
0xad: {  	[dreg:$0x0] =	wrdreg $0x60  }
0xae: {  	[dreg:$0x2] =	wrdreg s24  }
0xaf: {  	[dreg:$0x3] =	wrdreg $0x9  }
0xb0: {  	_ =	task.clear_ibuf [dreg:s6], $0x4FFFF;
	_ =	strace $0x90000046  }
0xb1: {  	s29 =	simm.s32 $0x9;
	_ =	strace $0x80000048  }
0xb2: {  	_ =	swait.ge [sflag:s29], $0x1  }
0xb3: {  	[sflag:s29] =	ssyncadd.s32 $0xFFFFFFFF  }
0xb4: {  	_ =	strace $0x90000048  }
0xb5: {  	_ =	sfence  }
0xb6: {  	s30 =	sld [smem:$0x0];
	_ =	sdelay $0x2  }
0xb7: {  	s31 =	sshll.u32 s1, $0xD;
	s1 =	sshrl.u32 s1, $0x2  }
0xb8: {  	s3 =	sand.u32 $0x4000, s31;
	s1 =	sadd.s32 s1, s30  }
0xb9: {  	s0 =	sor.u32 s3, s0;
	s1 =	sshll.u32 s1, $0x11  }
0xba: {  	s0 =	sor.u32 s1, s0  }
0xbb: {  	s0 =	sadd.s32 $0x8F2B, s0  }
0xbc: {  	[sflag:s0] =	ssyncadd.remote.s32 $0x1  }
0xbd: {  	_ =	sfence.sel $0xFFFF  }
0xbe: {  	[dreg:$0x0] =	wrdreg $0xFFFFFFFF;
	(pc) =	sbr.abs _section_cstart, $3  }
0xbf: {  	[dreg:$0x1] =	wrdreg $0xFFFFFFFF  }
0xc0: {  	_ =	task.clear_ibuf [dreg:s6], $0x2FFFF;
	_ =	strace $0x9FFFFFFF  }
0xc1: {  	(tm) =	ssettm $0x7FFFFFFF  }
tec
execute0_lowered:
.L_overlay_start_1:
0x0: {  	(tag) =	ssettag $0x1  }
0x1: {  	s1 =	srdreg.scid  }
0x2: {  	s0 =	stileid.u32;
	s4 =	rddreg [dreg:$0x0]  }
0x3: {  	s2 =	simm.s32 $0x0;
	s14 =	simm.s32 $0x3400;
	s15 =	simm.s32 $0x7400  }
0x4: {  	s16 =	simm.s32 $0x100;
	s17 =	simm.s32 $0xB400;
	s18 =	simm.s32 $0x180  }
0x5: {  	s19 =	simm.s32 $0xF400;
	s20 =	simm.s32 $0x1;
	s21 =	simm.s32 $0x2  }
0x6: {  	s22 =	simm.s32 $0x200;
	s23 =	simm.s32 $0x280;
	s24 =	simm.s32 $0x3300  }
0x7: {  	s25 =	simm.s32 $0x3380;
	s26 =	simm.s32 $0x0;
	s5 =	sand.u32 $0x1, s1  }
0x8: {  	s3 =	sshll.u32 s0, $0x1;
	[smem:$0x7FF] =	sst s2;
	s9 =	smul.u32 $0x340000, s0  }
0x9: {  	s11 =	sadd.s32 $0x28ADE00, s4;
	s6 =	sor.u32 s5, s3;
	s10 =	smul.u32 $0x1A0000, s5  }
0xa: {  	_ =	strace $0x80000047;
	s8 =	ssub.s32 $0x2, s5;
	s7 =	smul.u32 $0x680, s6  }
0xb: {  	s3 =	sadd.s32 $0xE00, s4;
	s6 =	smul.u32 $0x1A0000, s6;
	s29 =	sshrl.u32 s8, $0x1  }
0xc: {  	s30 =	ssub.s32 s8, s29;
	s31 =	sadd.s32 s10, s9;
	s7 =	sadd.s32 s7, s4  }
0xd: {  	s6 =	sshrl.u32 s6, $0x3;
	s5 =	smax.u32 s30, $0x1;
	s9 =	sor.u32 $0x10000, s31  }
0xe: {  	s10 =	sor.u32 $0x18000, s31;
	s4 =	sadd.s32 $0x28A0E00, s7;
	s6 =	sadd.s32 s11, s6  }
0xf: {  	s12 =	sshrl.u32 s9, $0x3;
	s13 =	sshrl.u32 s10, $0x3;
	s7 =	sadd.s32 $0x1000, s6  }
0x10: {  	s8 =	sadd.s32 $0x32000, s6;
	s9 =	sadd.s32 $0x33000, s6;
	s10 =	sadd.s32 s12, s11  }
0x11: {  	s11 =	sadd.s32 s13, s11;
	s12 =	simm.s32 $0x3;
	s13 =	simm.s32 $0x80  }
.LBB2_1:
0x12: {  	[tilespmem:s2], [sflag:$0x3] =	stream.linear.gather [hbm4b:s4+s2], $0x3400, $0x38;
	[tilespmem:$0x13400] =	vst v63  }
0x13: {  	_ =	swait.ge [sflag:s12], $0x3400  }
0x14: {  	[sflag:s12] =	ssyncset.done $0x0  }
0x15: {  	[sflag:s12] =	ssyncadd.s32 $0xFFFFCC00  }
0x16: {  	[tilespmem:s14], [sflag:$0x1] =	stream.indirect.gather [hbm4b:s3+s13], $0x80, s2, s13, $0xb8;
	[tilespmem:$0x13400] =	vst v63  }
0x17: {  	_ = 	snop  }
0x18: {  	[tilespmem:s15], [sflag:$0x1] =	stream.indirect.gather [hbm4b:s3+s13], $0x80, s13, s13, $0xb8;
	[tilespmem:$0x13400] =	vst v63  }
0x19: {  	_ = 	snop  }
0x1a: {  	[tilespmem:s17], [sflag:$0x1] =	stream.indirect.gather [hbm4b:s3+s13], $0x80, s16, s13, $0xb8;
	[tilespmem:$0x13400] =	vst v63  }
0x1b: {  	_ = 	snop  }
0x1c: {  	[tilespmem:s19], [sflag:$0x1] =	stream.indirect.gather [hbm4b:s3+s13], $0x80, s18, s13, $0xb8;
	[tilespmem:$0x13400] =	vst v63  }
0x1d: {  	_ =	swait.ge [sflag:s20], $0x4000  }
0x1e: {  	[sflag:s20] =	ssyncset.done $0x0  }
0x1f: {  	[sflag:s20] =	ssyncadd.s32 $0xFFFFC000  }
0x20: {  	_ =	swait.ge [sflag:s20], $0x4000  }
0x21: {  	[sflag:s20] =	ssyncset.done $0x0  }
0x22: {  	[sflag:s20] =	ssyncadd.s32 $0xFFFFC000  }
0x23: {  	[hbm4b:s6+s2] =	stream.linear.scatter [tilespmem:s14], [sflag:$0x2], $0x8000, $0x38;
	[tilespmem:$0x13400] =	vst v63  }
0x24: {  	_ =	swait.ge [sflag:s21], $0x8000  }
0x25: {  	[sflag:s21] =	ssyncset.done $0x0  }
0x26: {  	[sflag:s21] =	ssyncadd.s32 $0xFFFF8000  }
0x27: {  	[tilespmem:s14], [sflag:$0x1] =	stream.indirect.gather [hbm4b:s3+s13], $0x80, s22, s13, $0xb8;
	[tilespmem:$0x13400] =	vst v63  }
0x28: {  	_ = 	snop  }
0x29: {  	[tilespmem:s15], [sflag:$0x1] =	stream.indirect.gather [hbm4b:s3+s13], $0x80, s23, s13, $0xb8;
	[tilespmem:$0x13400] =	vst v63  }
0x2a: {  	_ =	swait.ge [sflag:s20], $0x4000  }
0x2b: {  	[sflag:s20] =	ssyncset.done $0x0  }
0x2c: {  	[sflag:s20] =	ssyncadd.s32 $0xFFFFC000  }
0x2d: {  	_ =	swait.ge [sflag:s20], $0x4000  }
0x2e: {  	[sflag:s20] =	ssyncset.done $0x0  }
0x2f: {  	[sflag:s20] =	ssyncadd.s32 $0xFFFFC000  }
0x30: {  	[hbm4b:s7+s2] =	stream.linear.scatter [tilespmem:s17], [sflag:$0x2], $0x8000, $0x38;
	[tilespmem:$0x13400] =	vst v63  }
0x31: {  	_ =	swait.ge [sflag:s21], $0x8000  }
0x32: {  	[sflag:s21] =	ssyncset.done $0x0  }
0x33: {  	s28 =	simm.s32 $0x300;
	[sflag:s21] =	ssyncadd.s32 $0xFFFF8000  }
0x34: {  	[tilespmem:s17], [sflag:$0x1] =	stream.indirect.gather [hbm4b:s3+s13], $0x80, s28, s13, $0xb8;
	[tilespmem:$0x13400] =	vst v63  }
0x35: {  	s28 =	simm.s32 $0x380  }
0x36: {  	[tilespmem:s19], [sflag:$0x1] =	stream.indirect.gather [hbm4b:s3+s13], $0x80, s28, s13, $0xb8;
	[tilespmem:$0x13400] =	vst v63  }
0x37: {  	_ =	swait.ge [sflag:s20], $0x4000  }
0x38: {  	[sflag:s20] =	ssyncset.done $0x0  }
0x39: {  	[sflag:s20] =	ssyncadd.s32 $0xFFFFC000  }
0x3a: {  	_ =	swait.ge [sflag:s20], $0x4000  }
0x3b: {  	[sflag:s20] =	ssyncset.done $0x0  }
0x3c: {  	[sflag:s20] =	ssyncadd.s32 $0xFFFFC000  }
0x3d: {  	[hbm4b:s10+s2] =	stream.linear.scatter [tilespmem:s14], [sflag:$0x2], $0x8000, $0x38;
	[tilespmem:$0x13400] =	vst v63  }
0x3e: {  	_ =	swait.ge [sflag:s21], $0x8000  }
0x3f: {  	[sflag:s21] =	ssyncset.done $0x0  }
0x40: {  	s28 =	simm.s32 $0x400;
	[sflag:s21] =	ssyncadd.s32 $0xFFFF8000  }
0x41: {  	[tilespmem:s14], [sflag:$0x1] =	stream.indirect.gather [hbm4b:s3+s13], $0x80, s28, s13, $0xb8;
	[tilespmem:$0x13400] =	vst v63  }
0x42: {  	s28 =	simm.s32 $0x480  }
0x43: {  	[tilespmem:s15], [sflag:$0x1] =	stream.indirect.gather [hbm4b:s3+s13], $0x80, s28, s13, $0xb8;
	[tilespmem:$0x13400] =	vst v63  }
0x44: {  	_ =	swait.ge [sflag:s20], $0x4000  }
0x45: {  	[sflag:s20] =	ssyncset.done $0x0  }
0x46: {  	[sflag:s20] =	ssyncadd.s32 $0xFFFFC000  }
0x47: {  	_ =	swait.ge [sflag:s20], $0x4000  }
0x48: {  	s29 =	sadd.s32 $0x2000, s10;
	s30 =	sadd.s32 $0x2000, s11;
	[sflag:s20] =	ssyncset.done $0x0  }
0x49: {  	s31 =	smov.u32 s11;
	s28 =	simm.s32 $0x800;
	[sflag:s20] =	ssyncadd.s32 $0xFFFFC000  }
.LBB2_2:
0x4a: {  	[hbm4b:s31+s2] =	stream.linear.scatter [tilespmem:s17], [sflag:$0x2], $0x8000, $0x38;
	[tilespmem:$0x13400] =	vst v63  }
0x4b: {  	s1 =	smov.u32 s28;
	s31 =	smov.u32 s30  }
0x4c: {  	p0 =	sne.s32 s28, $0xB800;
	s28 =	sadd.s32 $0x800, s28;
	_ =	swait.ge [sflag:s21], $0x8000  }
0x4d: {  	s1 =	sshra.s32 s1, $0x2;
	[sflag:s21] =	ssyncset.done $0x0  }
0x4e: {  	s0 =	sadd.s32 $0x300, s1;
	[sflag:s21] =	ssyncadd.s32 $0xFFFF8000  }
0x4f: {  	[tilespmem:s17], [sflag:$0x1] =	stream.indirect.gather [hbm4b:s3+s13], $0x80, s0, s13, $0xb8;
	[tilespmem:$0x13400] =	vst v63  }
0x50: {  	s0 =	sadd.s32 $0x380, s1  }
0x51: {  	[tilespmem:s19], [sflag:$0x1] =	stream.indirect.gather [hbm4b:s3+s13], $0x80, s0, s13, $0xb8;
	[tilespmem:$0x13400] =	vst v63  }
0x52: {  	_ =	swait.ge [sflag:s20], $0x4000  }
0x53: {  	[sflag:s20] =	ssyncset.done $0x0  }
0x54: {  	[sflag:s20] =	ssyncadd.s32 $0xFFFFC000  }
0x55: {  	_ =	swait.ge [sflag:s20], $0x4000  }
0x56: {  	[sflag:s20] =	ssyncset.done $0x0  }
0x57: {  	[sflag:s20] =	ssyncadd.s32 $0xFFFFC000  }
0x58: {  	[hbm4b:s29+s2] =	stream.linear.scatter [tilespmem:s14], [sflag:$0x2], $0x8000, $0x38;
	[tilespmem:$0x13400] =	vst v63  }
0x59: {  	_ =	swait.ge [sflag:s21], $0x8000  }
0x5a: {  	[sflag:s21] =	ssyncset.done $0x0  }
0x5b: {  	s0 =	sadd.s32 $0x400, s1;
	[sflag:s21] =	ssyncadd.s32 $0xFFFF8000  }
0x5c: {  	[tilespmem:s14], [sflag:$0x1] =	stream.indirect.gather [hbm4b:s3+s13], $0x80, s0, s13, $0xb8;
	[tilespmem:$0x13400] =	vst v63  }
0x5d: {  	s0 =	sadd.s32 $0x480, s1  }
0x5e: {  	[tilespmem:s15], [sflag:$0x1] =	stream.indirect.gather [hbm4b:s3+s13], $0x80, s0, s13, $0xb8;
	[tilespmem:$0x13400] =	vst v63  }
0x5f: {  	_ =	swait.ge [sflag:s20], $0x4000  }
.Ltmp0:
0x60: {  	[sflag:s20] =	ssyncset.done $0x0;
	(pc) =	sbr.rel @p0 .LBB2_2-.Ltmp0, $4  }
0x61: {  	[sflag:s20] =	ssyncadd.s32 $0xFFFFC000  }
0x62: {  	_ =	swait.ge [sflag:s20], $0x4000  }
0x63: {  	[sflag:s20] =	ssyncset.done $0x0  }
0x64: {  	s30 =	sadd.s32 $0x2000, s30;
	s29 =	sadd.s32 $0x2000, s29;
	[sflag:s20] =	ssyncadd.s32 $0xFFFFC000  }
0x65: {  	[hbm4b:s31+s2] =	stream.linear.scatter [tilespmem:s17], [sflag:$0x2], $0x8000, $0x38;
	[tilespmem:$0x13400] =	vst v63  }
0x66: {  	_ =	swait.ge [sflag:s21], $0x8000  }
0x67: {  	[sflag:s21] =	ssyncset.done $0x0  }
0x68: {  	[sflag:s21] =	ssyncadd.s32 $0xFFFF8000  }
0x69: {  	[tilespmem:s17], [sflag:$0x1] =	stream.indirect.gather [hbm4b:s3+s13], $0x80, s24, s13, $0xb8;
	[tilespmem:$0x13400] =	vst v63  }
0x6a: {  	_ = 	snop  }
0x6b: {  	[tilespmem:s19], [sflag:$0x1] =	stream.indirect.gather [hbm4b:s3+s13], $0x80, s25, s13, $0xb8;
	[tilespmem:$0x13400] =	vst v63  }
0x6c: {  	_ =	swait.ge [sflag:s20], $0x4000  }
0x6d: {  	[sflag:s20] =	ssyncset.done $0x0  }
0x6e: {  	[sflag:s20] =	ssyncadd.s32 $0xFFFFC000  }
0x6f: {  	_ =	swait.ge [sflag:s20], $0x4000  }
0x70: {  	[sflag:s20] =	ssyncset.done $0x0  }
0x71: {  	[sflag:s20] =	ssyncadd.s32 $0xFFFFC000  }
0x72: {  	[hbm4b:s8+s2] =	stream.linear.scatter [tilespmem:s14], [sflag:$0x2], $0x8000, $0x38;
	[tilespmem:$0x13400] =	vst v63  }
0x73: {  	_ =	swait.ge [sflag:s20], $0x4000  }
0x74: {  	[sflag:s20] =	ssyncset.done $0x0  }
0x75: {  	[sflag:s20] =	ssyncadd.s32 $0xFFFFC000  }
0x76: {  	_ =	swait.ge [sflag:s20], $0x4000  }
0x77: {  	[sflag:s20] =	ssyncset.done $0x0  }
0x78: {  	s26 =	sadd.s32 $0x1, s26;
	[sflag:s20] =	ssyncadd.s32 $0xFFFFC000  }
0x79: {  	[hbm4b:s9+s2] =	stream.linear.scatter [tilespmem:s17], [sflag:$0x2], $0x8000, $0x38;
	[tilespmem:$0x13400] =	vst v63  }
0x7a: {  	p0 =	sne.s32 s26, s5;
	_ =	swait.ge [sflag:s21], $0x8000  }
.Ltmp1:
0x7b: {  	[sflag:s21] =	ssyncset.done $0x0;
	(pc) =	sbr.rel @p0 .LBB2_1-.Ltmp1, $4  }
0x7c: {  	[sflag:s21] =	ssyncadd.s32 $0xFFFF8000  }
0x7d: {  	_ =	swait.ge [sflag:s21], $0x8000  }
0x7e: {  	[sflag:s21] =	ssyncset.done $0x0  }
0x7f: {  	[sflag:s21] =	ssyncadd.s32 $0xFFFF8000  }
0x80: {  	_ =	sfence.sel $0x180000  }
0x81: {  	[bflag:$0x0] =	sbarrier.arrive $0xFFFF  }
0x82: {  	_ =	strace $0x90000047  }
0x83: {  	s0 =	stileid.u32;
	[bflag:$0x2] =	sbarrier.arrive $0xFFFF  }
0x84: {  	p0 =	sne.s32 s0, $0x0;
	s0 =	rddreg [dreg:$0x1]  }
0x85: {  	s0 =	sadd.s32 @!p0 $0x100000, s0  }
0x86: {  	[sflag:s0] =	ssyncadd.tile.s32 @!p0 $0x1;
	_ =	shalt  }
.Lfunc_end2:
_tile_overlayer_lowered:
.L_overlay_start_2:
0x87: {  	(tag) =	ssettag $0x2  }
0x88: {  	s0 =	rddreg [dreg:$0x0];
	s2 =	stileid.u32  }
0x89: {  	s1 =	rddreg [dreg:$0x1];
	p0 =	sne.s32 s2, $0x0  }
0x8a: {  	s3 =	rddreg [dreg:$0x2];
	[bflag:$0x3] =	sbarrier.arrive $0xFFFF;
	s2 =	simm.s32 @!p0 $0x1C03  }
0x8b: {  	[timem:s3], [sflag:s2] =	dma.local @!p0 [hbm:s0], s1  }
0x8c: {  	s0 =	simm.s32 @!p0 $0x3  }
0x8d: {  	_ =	swait.ge @!p0 [sflag:s0], s1  }
0x8e: {  	s1 =	ssub.s32 @!p0 $0x0, s1;
	[sflag:s0] =	ssyncset.done @!p0 $0x0  }
0x8f: {  	[sflag:s0] =	ssyncadd.s32 @!p0 s1  }
0x90: {  	[bflag:$0x3] =	sbarrier.arrive $0xFFFF  }
0x91: {  	_ =	shalt  }

</sc_bundles>
